<compile_context>
chip_gen: v7x
topology: tpu7x:2x2x1
jax: 0.10.2.dev20260603
libtpu: 0.0.44.dev20260713+nightly
codegen_flags: <defaults>
</compile_context>

<pallas_src>
import functools

import jax
import jax.numpy as jnp
from jax import lax
from jax.experimental import pallas as pl
from jax.experimental.pallas import tpu as pltpu
from jax.experimental.pallas import tpu_sc as plsc

_NT = 50000
_B = 1024
_BIT = 32
_NC = 10
_TW = 128
_ETA = 0.001
_CB = 5000
_NJ = _NT // _CB

_LOG2E = 1.4426950408889634
_LN2 = 0.6931471805599453
_DN = (((1,), (1,)), ((), ()))

_NW = 32
_BPW = _B // _NW


def _sc_gather(table, ind):
    mesh = plsc.VectorSubcoreMesh(core_axis_name="c", subcore_axis_name="s")

    @functools.partial(
        pl.kernel,
        mesh=mesh,
        out_type=jax.ShapeDtypeStruct((_B, _TW), jnp.float32),
        scratch_types=[
            pltpu.VMEM((_BPW,), jnp.int32),
            pltpu.VMEM((_BPW, _TW), jnp.float32),
            pltpu.SemaphoreType.DMA,
        ],
    )
    def gather_k(t_hbm, idx_hbm, g_hbm, idx_v, rows_v, sem):
        wid = lax.axis_index("s") * 2 + lax.axis_index("c")
        base = wid * _BPW
        pltpu.sync_copy(idx_hbm.at[pl.ds(base, _BPW)], idx_v)
        pltpu.async_copy(t_hbm.at[idx_v], rows_v, sem).wait()
        pltpu.sync_copy(rows_v, g_hbm.at[pl.ds(base, _BPW)])

    return gather_k(table, ind)


def _colsums(ip, sd):
    a = jnp.abs(ip)
    lg = jnp.log2(1.0 + jnp.exp2(a * (-_LOG2E)))
    cs_g = (jnp.sum(lg, axis=0, keepdims=True) * _LN2
            + 0.5 * jnp.sum(a, axis=0, keepdims=True))
    cs_sip = jnp.sum(jnp.where(sd > 0, ip, 0.0), axis=0, keepdims=True)
    return cs_g, cs_sip


def _main_kernel(u_ref, y_ref, U_ref, Y_ref, out_ref, tab_ref):
    j = pl.program_id(0)
    uh = u_ref[...] * 0.5
    uh16 = uh.astype(jnp.bfloat16)
    y16 = y_ref[...].astype(jnp.bfloat16)
    ush16 = jnp.sum(uh, axis=0, keepdims=True).astype(jnp.bfloat16)
    Ub16 = U_ref[...]
    Yb16 = Y_ref[...]
    tab_ref[:, 0:_BIT] = Ub16.astype(jnp.float32)
    tab_ref[:, _BIT:_BIT + _NC] = Yb16.astype(jnp.float32)
    ip = jax.lax.dot_general(uh16, Ub16, _DN,
                             preferred_element_type=jnp.float32)
    sd = jax.lax.dot_general(y16, Yb16, _DN,
                             preferred_element_type=jnp.float32)
    cs_g, cs_sip = _colsums(ip, sd)
    cs_ip = jax.lax.dot_general(ush16, Ub16, _DN,
                                preferred_element_type=jnp.float32)
    contrib = jnp.sum(cs_g + 0.5 * cs_ip - cs_sip)

    @pl.when(j == 0)
    def _first():
        out_ref[...] = jnp.full((1, 1), contrib, jnp.float32)

    @pl.when(j != 0)
    def _rest():
        out_ref[...] = out_ref[...] + contrib


def _corr_kernel(u_ref, y_ref, indc_ref, indr_ref, g_ref,
                 acc_ref, out_ref):
    u = u_ref[...]
    uh = u * 0.5
    uh16 = uh.astype(jnp.bfloat16)
    y16 = y_ref[...].astype(jnp.bfloat16)
    ush = jnp.sum(uh, axis=0, keepdims=True)
    ind_c = indc_ref[...]
    ind_r = indr_ref[...]
    ii = jax.lax.broadcasted_iota(jnp.int32, (_B, _B), 0)
    jj = jax.lax.broadcasted_iota(jnp.int32, (_B, _B), 1)
    winner = jnp.min(
        jnp.where((ind_c == ind_r) & (ii > jj), 0.0, 1.0),
        axis=0, keepdims=True)

    g = g_ref[...]
    Z = jnp.concatenate([g[:, :_BIT], u], axis=0)
    Zy = jnp.concatenate([g[:, _BIT:_BIT + _NC], y_ref[...]], axis=0)
    w2 = jnp.concatenate([-winner, winner], axis=1)
    ip_z = jax.lax.dot_general(uh16, Z.astype(jnp.bfloat16), _DN,
                               preferred_element_type=jnp.float32)
    sd_z = jax.lax.dot_general(y16, Zy.astype(jnp.bfloat16), _DN,
                               preferred_element_type=jnp.float32)
    cs_gz, cs_sipz = _colsums(ip_z, sd_z)
    cs_ipz = jax.lax.dot_general(ush, Z, _DN,
                                 preferred_element_type=jnp.float32)
    corr = jnp.sum((cs_gz + 0.5 * cs_ipz - cs_sipz) * w2)

    quant = jnp.sum((u - jnp.sign(u)) ** 2) * (_ETA * _NT / _BIT)
    out_ref[...] = (acc_ref[...] + (corr + quant)) * (
        1.0 / (_B * _NT))


def kernel(u, y, ind, U, Y):
    ind = ind.astype(jnp.int32)
    ind_c = ind.reshape(_B, 1)
    ind_r = ind.reshape(1, _B)

    acc, table = pl.pallas_call(
        _main_kernel,
        grid=(_NJ,),
        in_specs=[
            pl.BlockSpec((_B, _BIT), lambda j: (0, 0)),
            pl.BlockSpec((_B, _NC), lambda j: (0, 0)),
            pl.BlockSpec((_CB, _BIT), lambda j: (j, 0)),
            pl.BlockSpec((_CB, _NC), lambda j: (j, 0)),
        ],
        out_specs=(
            pl.BlockSpec((1, 1), lambda j: (0, 0)),
            pl.BlockSpec((_CB, _TW), lambda j: (j, 0)),
        ),
        out_shape=(
            jax.ShapeDtypeStruct((1, 1), jnp.float32),
            jax.ShapeDtypeStruct((_NT, _TW), jnp.float32),
        ),
    )(u, y, U.astype(jnp.bfloat16), Y.astype(jnp.bfloat16))
    g = _sc_gather(table, ind)

    total = pl.pallas_call(
        _corr_kernel,
        out_shape=jax.ShapeDtypeStruct((1, 1), jnp.float32),
    )(u, y, ind_c, ind_r, g, acc)
    return total[0, 0]

# --- scband reference (transcript-rebuilt; emitter-appended) ---
"""Pipeline reference for scband-dpshloss-20890720928533 (READ-ONLY COPY).

The authoritative reference and input builder live on the scoring server;
editing this copy changes nothing except your own understanding.
"""

import jax, jax.numpy as jnp
import numpy as np

NUM_TRAIN = 50000
BIT = 32
N_CLASS = 10
ETA = 0.001
BATCH = 1024


def setup_inputs(seed: int = 0) -> dict:
    key = jax.random.key(seed)
    k1, k2, k3, k4, k5 = jax.random.split(key, 5)
    u = jax.random.normal(k1, (BATCH, BIT), dtype=jnp.float32)
    y = jax.random.randint(k2, (BATCH, N_CLASS), 0, 2).astype(jnp.float32)
    ind = jax.random.randint(k3, (BATCH,), 0, NUM_TRAIN, dtype=jnp.int64 if jax.config.jax_enable_x64 else jnp.int32)
    # Buffers (preinstalled state): U holds codes for the whole train set, Y holds labels.
    U = jax.random.normal(k4, (NUM_TRAIN, BIT), dtype=jnp.float32)
    Y = jax.random.randint(k5, (NUM_TRAIN, N_CLASS), 0, 2).astype(jnp.float32)
    return {"u": u, "y": y, "ind": ind, "U": U, "Y": Y}


def reference(u, y, ind, U, Y):
    # self.U[ind, :] = u.data ; self.Y[ind, :] = y.float()  (detached scatter-overwrite)
    U_new = U.at[ind].set(jax.lax.stop_gradient(u))
    Y_new = Y.at[ind].set(jax.lax.stop_gradient(y))
    s = (y @ Y_new.T > 0).astype(jnp.float32)
    inner_product = (u @ U_new.T) * 0.5
    likelihood_loss = jnp.log1p(jnp.exp(-jnp.abs(inner_product))) + jnp.maximum(inner_product, 0.0) - s * inner_product
    likelihood_loss = likelihood_loss.mean()
    quantization_loss = ETA * jnp.mean((u - jnp.sign(u)) ** 2)
    return likelihood_loss + quantization_loss


if False:  # reference __main__ guard neutralized (emitter)
    out = reference(**setup_inputs())
    print(out)

if __name__ == "__main__":
    import jax
    _d = setup_inputs()
    print(jax.jit(kernel)(*tuple(_d.values())))

</pallas_src>

<mosaic_0001>
#map = affine_map<(d0, d1) -> (0, 0)>
#map1 = affine_map<(d0, d1) -> (0)>
module attributes {stable_mosaic.version = 14 : i64} {
  func.func @gather_k(%arg0: i32, %arg1: i32, %arg2: memref<50000x128xf32, #tpu.memory_space<hbm>>, %arg3: memref<1024xi32, #tpu.memory_space<hbm>>, %arg4: memref<1024x128xf32, #tpu.memory_space<hbm>>, %arg5: memref<32xi32, #tpu.memory_space<vmem>>, %arg6: memref<32x128xf32, #tpu.memory_space<vmem>>, %arg7: memref<!tpu.dma_semaphore, #tpu.memory_space<semaphore_mem>>) attributes {dimension_semantics = [#tpu.dimension_semantics<core_parallel>, #tpu.dimension_semantics<subcore_parallel>], iteration_bounds = array<i64: 2, 16>, scalar_prefetch = 0 : i64, scratch_operands = 3 : i64, tpu.core_type = #tpu.core_type<sc_vector_subcore>, window_params = [{transform_indices = #map}, {transform_indices = #map1}, {transform_indices = #map}]} {
    %mul3A = arith.constant 2 : i32
    %mul3A_0 = arith.muli %arg1, %mul3A : i32
    %add3A = arith.addi %mul3A_0, %arg0 : i32
    %mul3A_1 = arith.constant 32 : i32
    %mul3A_2 = arith.muli %add3A, %mul3A_1 : i32
    "tpu.region"() ({
      %run_scoped3A = tpu.sem_alloc : memref<!tpu.dma_semaphore, #tpu.memory_space<semaphore_mem>>
      %dma_start3A_7 = tpu.memref_slice %arg3[%mul3A_2] : memref<1024xi32, #tpu.memory_space<hbm>> -> memref<32xi32, #tpu.memory_space<hbm>>
      %dma_start3A_8 = tpu.memref_slice %arg3[%mul3A_2] : memref<1024xi32, #tpu.memory_space<hbm>> -> memref<32xi32, #tpu.memory_space<hbm>>
      tpu.enqueue_dma source(%dma_start3A_8 : memref<32xi32, #tpu.memory_space<hbm>>) target(%arg5 : memref<32xi32, #tpu.memory_space<vmem>>) target_semaphore(%run_scoped3A : memref<!tpu.dma_semaphore, #tpu.memory_space<semaphore_mem>>)
      %dma_wait3A_9 = tpu.memref_slice %arg3[%mul3A_2] : memref<1024xi32, #tpu.memory_space<hbm>> -> memref<32xi32, #tpu.memory_space<hbm>>
      %dma_wait3A_10 = tpu.memref_slice %arg3[%mul3A_2] : memref<1024xi32, #tpu.memory_space<hbm>> -> memref<32xi32, #tpu.memory_space<hbm>>
      tpu.wait_dma2 semaphore(%run_scoped3A : memref<!tpu.dma_semaphore, #tpu.memory_space<semaphore_mem>>) src(%dma_wait3A_10 : memref<32xi32, #tpu.memory_space<hbm>>) dst(%arg5 : memref<32xi32, #tpu.memory_space<vmem>>)
      tpu.yield
    }) : () -> ()
    %dma_start3A = arith.constant 0 : i32
    %dma_start3A_3 = arith.constant 0 : i32
    %dma_start3A_4 = tpu.memref_slice %arg2[%dma_start3A, %dma_start3A_3] : memref<50000x128xf32, #tpu.memory_space<hbm>> -> memref<50000x128xf32, #tpu.memory_space<hbm>>
    tpu.enqueue_indirect_dma source(%dma_start3A_4 : memref<50000x128xf32, #tpu.memory_space<hbm>>) target(%arg6 : memref<32x128xf32, #tpu.memory_space<vmem>>) offsets(%arg5 : memref<32xi32, #tpu.memory_space<vmem>>) semaphore(%arg7 : memref<!tpu.dma_semaphore, #tpu.memory_space<semaphore_mem>>)
    %dma_wait3A = arith.constant 0 : i32
    %dma_wait3A_5 = arith.constant 0 : i32
    %dma_wait3A_6 = tpu.memref_slice %arg2[%dma_wait3A, %dma_wait3A_5] : memref<50000x128xf32, #tpu.memory_space<hbm>> -> memref<50000x128xf32, #tpu.memory_space<hbm>>
    tpu.wait_indirect_dma semaphore(%arg7 : memref<!tpu.dma_semaphore, #tpu.memory_space<semaphore_mem>>) src(%dma_wait3A_6 : memref<50000x128xf32, #tpu.memory_space<hbm>>) dst(%arg6 : memref<32x128xf32, #tpu.memory_space<vmem>>)
    "tpu.region"() ({
      %run_scoped3A = tpu.sem_alloc : memref<!tpu.dma_semaphore, #tpu.memory_space<semaphore_mem>>
      %dma_start3A_7 = arith.constant 0 : i32
      %dma_start3A_8 = tpu.memref_slice %arg4[%mul3A_2, %dma_start3A_7] : memref<1024x128xf32, #tpu.memory_space<hbm>> -> memref<32x128xf32, #tpu.memory_space<hbm>>
      %dma_start3A_9 = arith.constant 0 : i32
      %dma_start3A_10 = tpu.memref_slice %arg4[%mul3A_2, %dma_start3A_9] : memref<1024x128xf32, #tpu.memory_space<hbm>> -> memref<32x128xf32, #tpu.memory_space<hbm>>
      tpu.enqueue_dma source(%arg6 : memref<32x128xf32, #tpu.memory_space<vmem>>) target(%dma_start3A_10 : memref<32x128xf32, #tpu.memory_space<hbm>>) target_semaphore(%run_scoped3A : memref<!tpu.dma_semaphore, #tpu.memory_space<semaphore_mem>>)
      %dma_wait3A_11 = arith.constant 0 : i32
      %dma_wait3A_12 = tpu.memref_slice %arg4[%mul3A_2, %dma_wait3A_11] : memref<1024x128xf32, #tpu.memory_space<hbm>> -> memref<32x128xf32, #tpu.memory_space<hbm>>
      %dma_wait3A_13 = arith.constant 0 : i32
      %dma_wait3A_14 = tpu.memref_slice %arg4[%mul3A_2, %dma_wait3A_13] : memref<1024x128xf32, #tpu.memory_space<hbm>> -> memref<32x128xf32, #tpu.memory_space<hbm>>
      tpu.wait_dma2 semaphore(%run_scoped3A : memref<!tpu.dma_semaphore, #tpu.memory_space<semaphore_mem>>) src(%arg6 : memref<32x128xf32, #tpu.memory_space<vmem>>) dst(%dma_wait3A_14 : memref<32x128xf32, #tpu.memory_space<hbm>>)
      tpu.yield
    }) : () -> ()
    return
  }
}

module attributes {stable_mosaic.version = 14 : i64} {
  func.func @_main_kernel(%arg0: i32, %arg1: memref<1024x32xf32, #tpu.memory_space<vmem>>, %arg2: memref<1024x10xf32, #tpu.memory_space<vmem>>, %arg3: memref<5000x32xbf16, #tpu.memory_space<vmem>>, %arg4: memref<5000x10xbf16, #tpu.memory_space<vmem>>, %arg5: memref<1x1xf32, #tpu.memory_space<vmem>>, %arg6: memref<5000x128xf32, #tpu.memory_space<vmem>>) attributes {dimension_semantics = [#tpu.dimension_semantics<arbitrary>], iteration_bounds = array<i64: 10>, scalar_prefetch = 0 : i64, scratch_operands = 0 : i64, tpu.core_type = #tpu.core_type<tc>, window_params = [{pipeline_mode = #tpu.pipeline_mode<synchronous>, transform_indices = @transform_0, window_bounds = array<i64: 1024, 32>}, {pipeline_mode = #tpu.pipeline_mode<synchronous>, transform_indices = @transform_1, window_bounds = array<i64: 1024, 10>}, {transform_indices = @transform_2, window_bounds = array<i64: 5000, 32>}, {transform_indices = @transform_3, window_bounds = array<i64: 5000, 10>}, {pipeline_mode = #tpu.pipeline_mode<synchronous>, transform_indices = @transform_4, window_bounds = array<i64: 1, 1>}, {transform_indices = @transform_5, window_bounds = array<i64: 5000, 128>}]} {
    %get3A = arith.constant 0 : index
    %get3A_0 = arith.constant 0 : index
    %get3A_1 = vector.load %arg1[%get3A, %get3A_0] : memref<1024x32xf32, #tpu.memory_space<vmem>>, vector<1024x32xf32>
    %mul3A = arith.constant 5.000000e-01 : f32
    %mul3A_2 = vector.broadcast %mul3A : f32 to vector<1024x32xf32>
    %mul3A_3 = arith.mulf %get3A_1, %mul3A_2 : vector<1024x32xf32>
    %convert_element_type3A = arith.truncf %mul3A_3 : vector<1024x32xf32> to vector<1024x32xbf16>
    %get3A_4 = arith.constant 0 : index
    %get3A_5 = arith.constant 0 : index
    %get3A_6 = vector.load %arg2[%get3A_4, %get3A_5] : memref<1024x10xf32, #tpu.memory_space<vmem>>, vector<1024x10xf32>
    %convert_element_type3A_7 = arith.truncf %get3A_6 : vector<1024x10xf32> to vector<1024x10xbf16>
    %reduce_sum3A = arith.constant dense<0.000000e+00> : vector<32xf32>
    %reduce_sum3A_8 = vector.multi_reduction <add>, %mul3A_3, %reduce_sum3A [0] : vector<1024x32xf32> to vector<32xf32>
    %broadcast_in_dim3A = vector.shape_cast %reduce_sum3A_8 : vector<32xf32> to vector<1x32xf32>
    %convert_element_type3A_9 = arith.truncf %broadcast_in_dim3A : vector<1x32xf32> to vector<1x32xbf16>
    %get3A_10 = arith.constant 0 : index
    %get3A_11 = arith.constant 0 : index
    %get3A_12 = vector.load %arg3[%get3A_10, %get3A_11] : memref<5000x32xbf16, #tpu.memory_space<vmem>>, vector<5000x32xbf16>
    %get3A_13 = arith.constant 0 : index
    %get3A_14 = arith.constant 0 : index
    %get3A_15 = vector.load %arg4[%get3A_13, %get3A_14] : memref<5000x10xbf16, #tpu.memory_space<vmem>>, vector<5000x10xbf16>
    %convert_element_type3A_16 = arith.extf %get3A_12 : vector<5000x32xbf16> to vector<5000x32xf32>
    %swap3A = arith.constant 0 : index
    %swap3A_17 = arith.constant 0 : index
    %swap3A_18 = vector.load %arg6[%swap3A, %swap3A_17] : memref<5000x128xf32, #tpu.memory_space<vmem>>, vector<5000x32xf32>
    tpu.vector_store %arg6[%swap3A, %swap3A_17], %convert_element_type3A_16 {strides = array<i32>} : memref<5000x128xf32, #tpu.memory_space<vmem>>, vector<5000x32xf32>,
    %convert_element_type3A_19 = arith.extf %get3A_15 : vector<5000x10xbf16> to vector<5000x10xf32>
    %swap3A_20 = arith.constant 0 : index
    %swap3A_21 = arith.constant 32 : index
    %swap3A_22 = vector.load %arg6[%swap3A_20, %swap3A_21] : memref<5000x128xf32, #tpu.memory_space<vmem>>, vector<5000x10xf32>
    tpu.vector_store %arg6[%swap3A_20, %swap3A_21], %convert_element_type3A_19 {strides = array<i32>} : memref<5000x128xf32, #tpu.memory_space<vmem>>, vector<5000x10xf32>,
    %dot_general3A = arith.constant dense<0.000000e+00> : vector<1024x5000xf32>
    %dot_general3A_23 = tpu.matmul %convert_element_type3A, %get3A_12, %dot_general3A {dimension_numbers = #tpu.dot_dimension_numbers<[1], [1], [0], [0], [0, 0, 1, 0], [], []>, transpose_lhs_hint = false} : vector<1024x32xbf16>, vector<5000x32xbf16>, vector<1024x5000xf32> -> vector<1024x5000xf32>
    %dot_general3A_24 = arith.constant dense<0.000000e+00> : vector<1024x5000xf32>
    %dot_general3A_25 = tpu.matmul %convert_element_type3A_7, %get3A_15, %dot_general3A_24 {dimension_numbers = #tpu.dot_dimension_numbers<[1], [1], [0], [0], [0, 0, 1, 0], [], []>, transpose_lhs_hint = false} : vector<1024x10xbf16>, vector<5000x10xbf16>, vector<1024x5000xf32> -> vector<1024x5000xf32>
    %abs3A = math.absf %dot_general3A_23 : vector<1024x5000xf32>
    %mul3A_26 = arith.constant -1.44269502 : f32
    %mul3A_27 = vector.broadcast %mul3A_26 : f32 to vector<1024x5000xf32>
    %mul3A_28 = arith.mulf %abs3A, %mul3A_27 : vector<1024x5000xf32>
    %exp23A = math.exp2 %mul3A_28 : vector<1024x5000xf32>
    %add3A = arith.constant 1.000000e+00 : f32
    %add3A_29 = vector.broadcast %add3A : f32 to vector<1024x5000xf32>
    %add3A_30 = arith.addf %add3A_29, %exp23A : vector<1024x5000xf32>
    %log3A = math.log %add3A_30 : vector<1024x5000xf32>
    %log3A_31 = arith.constant 2.000000e+00 : f32
    %log3A_32 = math.log %log3A_31 : f32
    %div3A = vector.broadcast %log3A_32 : f32 to vector<1024x5000xf32>
    %div3A_33 = arith.divf %log3A, %div3A : vector<1024x5000xf32>
    %reduce_sum3A_34 = arith.constant dense<0.000000e+00> : vector<5000xf32>
    %reduce_sum3A_35 = vector.multi_reduction <add>, %div3A_33, %reduce_sum3A_34 [0] : vector<1024x5000xf32> to vector<5000xf32>
    %broadcast_in_dim3A_36 = vector.shape_cast %reduce_sum3A_35 : vector<5000xf32> to vector<1x5000xf32>
    %mul3A_37 = arith.constant 0.693147182 : f32
    %mul3A_38 = vector.broadcast %mul3A_37 : f32 to vector<1x5000xf32>
    %mul3A_39 = arith.mulf %broadcast_in_dim3A_36, %mul3A_38 : vector<1x5000xf32>
    %reduce_sum3A_40 = arith.constant dense<0.000000e+00> : vector<5000xf32>
    %reduce_sum3A_41 = vector.multi_reduction <add>, %abs3A, %reduce_sum3A_40 [0] : vector<1024x5000xf32> to vector<5000xf32>
    %broadcast_in_dim3A_42 = vector.shape_cast %reduce_sum3A_41 : vector<5000xf32> to vector<1x5000xf32>
    %mul3A_43 = arith.constant 5.000000e-01 : f32
    %mul3A_44 = vector.broadcast %mul3A_43 : f32 to vector<1x5000xf32>
    %mul3A_45 = arith.mulf %mul3A_44, %broadcast_in_dim3A_42 : vector<1x5000xf32>
    %add3A_46 = arith.addf %mul3A_39, %mul3A_45 : vector<1x5000xf32>
    %gt3A = arith.constant 0.000000e+00 : f32
    %gt3A_47 = vector.broadcast %gt3A : f32 to vector<1024x5000xf32>
    %gt3A_48 = arith.cmpf ogt, %dot_general3A_25, %gt3A_47 : vector<1024x5000xf32>
    %jit3A = arith.constant 0.000000e+00 : f32
    %broadcast_in_dim3A_49 = vector.broadcast %jit3A : f32 to vector<1024x5000xf32>
    %select_n3A = arith.select %gt3A_48, %dot_general3A_23, %broadcast_in_dim3A_49 : vector<1024x5000xi1>, vector<1024x5000xf32>
    %reduce_sum3A_50 = arith.constant dense<0.000000e+00> : vector<5000xf32>
    %reduce_sum3A_51 = vector.multi_reduction <add>, %select_n3A, %reduce_sum3A_50 [0] : vector<1024x5000xf32> to vector<5000xf32>
    %broadcast_in_dim3A_52 = vector.shape_cast %reduce_sum3A_51 : vector<5000xf32> to vector<1x5000xf32>
    %dot_general3A_53 = arith.constant dense<0.000000e+00> : vector<1x5000xf32>
    %dot_general3A_54 = tpu.matmul %convert_element_type3A_9, %get3A_12, %dot_general3A_53 {dimension_numbers = #tpu.dot_dimension_numbers<[1], [1], [0], [0], [0, 0, 1, 0], [], []>, transpose_lhs_hint = false} : vector<1x32xbf16>, vector<5000x32xbf16>, vector<1x5000xf32> -> vector<1x5000xf32>
    %mul3A_55 = arith.constant 5.000000e-01 : f32
    %mul3A_56 = vector.broadcast %mul3A_55 : f32 to vector<1x5000xf32>
    %mul3A_57 = arith.mulf %mul3A_56, %dot_general3A_54 : vector<1x5000xf32>
    %add3A_58 = arith.addf %add3A_46, %mul3A_57 : vector<1x5000xf32>
    %sub3A = arith.subf %add3A_58, %broadcast_in_dim3A_52 : vector<1x5000xf32>
    %reduce_sum3A_59 = vector.shape_cast %sub3A : vector<1x5000xf32> to vector<1x1x5000xf32>
    %reduce_sum3A_60 = arith.constant dense<0.000000e+00> : vector<1xf32>
    %reduce_sum3A_61 = vector.multi_reduction <add>, %reduce_sum3A_59, %reduce_sum3A_60 [1, 2] : vector<1x1x5000xf32> to vector<1xf32>
    %reduce_sum3A_62 = vector.shape_cast %reduce_sum3A_61 : vector<1xf32> to vector<1x1x1xf32>
    %reduce_sum3A_63 = vector.extract %reduce_sum3A_62[0, 0, 0] : f32 from vector<1x1x1xf32>
    %eq3A = arith.constant 0 : i32
    %eq3A_64 = arith.cmpi eq, %arg0, %eq3A : i32
    %convert_element_type3A_65 = arith.extui %eq3A_64 : i1 to i32
    %cond3A = arith.constant 0 : i32
    %cond3A_66 = arith.cmpi ne, %convert_element_type3A_65, %cond3A : i32
    scf.if %cond3A_66 {
      %broadcast_in_dim3A_71 = vector.broadcast %reduce_sum3A_63 : f32 to vector<1x1xf32>
      %swap3A_72 = arith.constant 0 : index
      %swap3A_73 = arith.constant 0 : index
      %swap3A_74 = vector.load %arg5[%swap3A_72, %swap3A_73] : memref<1x1xf32, #tpu.memory_space<vmem>>, vector<1x1xf32>
      tpu.vector_store %arg5[%swap3A_72, %swap3A_73], %broadcast_in_dim3A_71 {strides = array<i32>} : memref<1x1xf32, #tpu.memory_space<vmem>>, vector<1x1xf32>,
    } else {
    }
    %ne3A = arith.constant 0 : i32
    %ne3A_67 = arith.cmpi ne, %arg0, %ne3A : i32
    %convert_element_type3A_68 = arith.extui %ne3A_67 : i1 to i32
    %cond3A_69 = arith.constant 0 : i32
    %cond3A_70 = arith.cmpi ne, %convert_element_type3A_68, %cond3A_69 : i32
    scf.if %cond3A_70 {
      %get3A_71 = arith.constant 0 : index
      %get3A_72 = arith.constant 0 : index
      %get3A_73 = vector.load %arg5[%get3A_71, %get3A_72] : memref<1x1xf32, #tpu.memory_space<vmem>>, vector<1x1xf32>
      %add3A_74 = vector.broadcast %reduce_sum3A_63 : f32 to vector<1x1xf32>
      %add3A_75 = arith.addf %get3A_73, %add3A_74 : vector<1x1xf32>
      %swap3A_76 = arith.constant 0 : index
      %swap3A_77 = arith.constant 0 : index
      %swap3A_78 = vector.load %arg5[%swap3A_76, %swap3A_77] : memref<1x1xf32, #tpu.memory_space<vmem>>, vector<1x1xf32>
      tpu.vector_store %arg5[%swap3A_76, %swap3A_77], %add3A_75 {strides = array<i32>} : memref<1x1xf32, #tpu.memory_space<vmem>>, vector<1x1xf32>,
    } else {
    }
    return
  }
  func.func @transform_0(%arg0: i32) -> (i32, i32) {
    %c0_i32 = arith.constant 0 : i32
    %c0_i32_0 = arith.constant 0 : i32
    %c0_i32_1 = arith.constant 0 : i32
    return %c0_i32, %c0_i32_0 : i32, i32
  }
  func.func @transform_1(%arg0: i32) -> (i32, i32) {
    %c0_i32 = arith.constant 0 : i32
    %c0_i32_0 = arith.constant 0 : i32
    %c0_i32_1 = arith.constant 0 : i32
    return %c0_i32, %c0_i32_0 : i32, i32
  }
  func.func @transform_2(%arg0: i32) -> (i32, i32) {
    %c0_i32 = arith.constant 0 : i32
    %c0_i32_0 = arith.constant 0 : i32
    return %arg0, %c0_i32 : i32, i32
  }
  func.func @transform_3(%arg0: i32) -> (i32, i32) {
    %c0_i32 = arith.constant 0 : i32
    %c0_i32_0 = arith.constant 0 : i32
    return %arg0, %c0_i32 : i32, i32
  }
  func.func @transform_4(%arg0: i32) -> (i32, i32) {
    %c0_i32 = arith.constant 0 : i32
    %c0_i32_0 = arith.constant 0 : i32
    %c0_i32_1 = arith.constant 0 : i32
    return %c0_i32, %c0_i32_0 : i32, i32
  }
  func.func @transform_5(%arg0: i32) -> (i32, i32) {
    %c0_i32 = arith.constant 0 : i32
    %c0_i32_0 = arith.constant 0 : i32
    return %arg0, %c0_i32 : i32, i32
  }
}

module attributes {stable_mosaic.version = 14 : i64} {
  func.func @_corr_kernel(%arg0: memref<1024x32xf32, #tpu.memory_space<vmem>>, %arg1: memref<1024x10xf32, #tpu.memory_space<vmem>>, %arg2: memref<1024x1xi32, #tpu.memory_space<vmem>>, %arg3: memref<1x1024xi32, #tpu.memory_space<vmem>>, %arg4: memref<1024x128xf32, #tpu.memory_space<vmem>>, %arg5: memref<1x1xf32, #tpu.memory_space<vmem>>, %arg6: memref<1x1xf32, #tpu.memory_space<vmem>>) attributes {dimension_semantics = [], scalar_prefetch = 0 : i64, scratch_operands = 0 : i64, tpu.core_type = #tpu.core_type<tc>} {
    %get3A = arith.constant 0 : index
    %get3A_0 = arith.constant 0 : index
    %get3A_1 = vector.load %arg0[%get3A, %get3A_0] : memref<1024x32xf32, #tpu.memory_space<vmem>>, vector<1024x32xf32>
    %mul3A = arith.constant 5.000000e-01 : f32
    %mul3A_2 = vector.broadcast %mul3A : f32 to vector<1024x32xf32>
    %mul3A_3 = arith.mulf %get3A_1, %mul3A_2 : vector<1024x32xf32>
    %convert_element_type3A = arith.truncf %mul3A_3 : vector<1024x32xf32> to vector<1024x32xbf16>
    %get3A_4 = arith.constant 0 : index
    %get3A_5 = arith.constant 0 : index
    %get3A_6 = vector.load %arg1[%get3A_4, %get3A_5] : memref<1024x10xf32, #tpu.memory_space<vmem>>, vector<1024x10xf32>
    %convert_element_type3A_7 = arith.truncf %get3A_6 : vector<1024x10xf32> to vector<1024x10xbf16>
    %reduce_sum3A = arith.constant dense<0.000000e+00> : vector<32xf32>
    %reduce_sum3A_8 = vector.multi_reduction <add>, %mul3A_3, %reduce_sum3A [0] : vector<1024x32xf32> to vector<32xf32>
    %broadcast_in_dim3A = vector.shape_cast %reduce_sum3A_8 : vector<32xf32> to vector<1x32xf32>
    %get3A_9 = arith.constant 0 : index
    %get3A_10 = arith.constant 0 : index
    %get3A_11 = vector.load %arg2[%get3A_9, %get3A_10] : memref<1024x1xi32, #tpu.memory_space<vmem>>, vector<1024x1xi32>
    %get3A_12 = arith.constant 0 : index
    %get3A_13 = arith.constant 0 : index
    %get3A_14 = vector.load %arg3[%get3A_12, %get3A_13] : memref<1x1024xi32, #tpu.memory_space<vmem>>, vector<1x1024xi32>
    %iota3A = tpu.iota {dimensions = array<i32: 0>} : vector<1024x1024xi32>
    %iota3A_15 = tpu.iota {dimensions = array<i32: 1>} : vector<1024x1024xi32>
    %eq3A = vector.broadcast %get3A_11 : vector<1024x1xi32> to vector<1024x1024xi32>
    %eq3A_16 = vector.broadcast %get3A_14 : vector<1x1024xi32> to vector<1024x1024xi32>
    %eq3A_17 = arith.cmpi eq, %eq3A, %eq3A_16 : vector<1024x1024xi32>
    %gt3A = arith.cmpi sgt, %iota3A, %iota3A_15 : vector<1024x1024xi32>
    %and3A = arith.andi %eq3A_17, %gt3A : vector<1024x1024xi1>
    %jit3A = arith.constant 0.000000e+00 : f32
    %jit3A_18 = arith.constant 1.000000e+00 : f32
    %broadcast_in_dim3A_19 = vector.broadcast %jit3A : f32 to vector<1024x1024xf32>
    %broadcast_in_dim3A_20 = vector.broadcast %jit3A_18 : f32 to vector<1024x1024xf32>
    %select_n3A = arith.select %and3A, %broadcast_in_dim3A_19, %broadcast_in_dim3A_20 : vector<1024x1024xi1>, vector<1024x1024xf32>
    %reduce_min3A = arith.constant dense<0x7F800000> : vector<1024xf32>
    %reduce_min3A_21 = vector.multi_reduction <minimumf>, %select_n3A, %reduce_min3A [0] : vector<1024x1024xf32> to vector<1024xf32>
    %broadcast_in_dim3A_22 = vector.shape_cast %reduce_min3A_21 : vector<1024xf32> to vector<1x1024xf32>
    %get3A_23 = arith.constant 0 : index
    %get3A_24 = arith.constant 0 : index
    %get3A_25 = vector.load %arg4[%get3A_23, %get3A_24] : memref<1024x128xf32, #tpu.memory_space<vmem>>, vector<1024x128xf32>
    %slice3A = vector.extract_strided_slice %get3A_25 {offsets = [0, 0], sizes = [1024, 32], strides = [1, 1]} : vector<1024x128xf32> to vector<1024x32xf32>
    %concatenate3A = tpu.concatenate %slice3A, %get3A_1 in 0 : vector<1024x32xf32>, vector<1024x32xf32> -> vector<2048x32xf32>
    %slice3A_26 = vector.extract_strided_slice %get3A_25 {offsets = [0, 32], sizes = [1024, 10], strides = [1, 1]} : vector<1024x128xf32> to vector<1024x10xf32>
    %get3A_27 = arith.constant 0 : index
    %get3A_28 = arith.constant 0 : index
    %get3A_29 = vector.load %arg1[%get3A_27, %get3A_28] : memref<1024x10xf32, #tpu.memory_space<vmem>>, vector<1024x10xf32>
    %concatenate3A_30 = tpu.concatenate %slice3A_26, %get3A_29 in 0 : vector<1024x10xf32>, vector<1024x10xf32> -> vector<2048x10xf32>
    %neg3A = arith.constant 0.000000e+00 : f32
    %neg3A_31 = vector.broadcast %neg3A : f32 to vector<1x1024xf32>
    %neg3A_32 = arith.subf %neg3A_31, %broadcast_in_dim3A_22 : vector<1x1024xf32>
    %concatenate3A_33 = tpu.concatenate %neg3A_32, %broadcast_in_dim3A_22 in 1 : vector<1x1024xf32>, vector<1x1024xf32> -> vector<1x2048xf32>
    %convert_element_type3A_34 = arith.truncf %concatenate3A : vector<2048x32xf32> to vector<2048x32xbf16>
    %dot_general3A = arith.constant dense<0.000000e+00> : vector<1024x2048xf32>
    %dot_general3A_35 = tpu.matmul %convert_element_type3A, %convert_element_type3A_34, %dot_general3A {dimension_numbers = #tpu.dot_dimension_numbers<[1], [1], [0], [0], [0, 0, 1, 0], [], []>, transpose_lhs_hint = false} : vector<1024x32xbf16>, vector<2048x32xbf16>, vector<1024x2048xf32> -> vector<1024x2048xf32>
    %convert_element_type3A_36 = arith.truncf %concatenate3A_30 : vector<2048x10xf32> to vector<2048x10xbf16>
    %dot_general3A_37 = arith.constant dense<0.000000e+00> : vector<1024x2048xf32>
    %dot_general3A_38 = tpu.matmul %convert_element_type3A_7, %convert_element_type3A_36, %dot_general3A_37 {dimension_numbers = #tpu.dot_dimension_numbers<[1], [1], [0], [0], [0, 0, 1, 0], [], []>, transpose_lhs_hint = false} : vector<1024x10xbf16>, vector<2048x10xbf16>, vector<1024x2048xf32> -> vector<1024x2048xf32>
    %abs3A = math.absf %dot_general3A_35 : vector<1024x2048xf32>
    %mul3A_39 = arith.constant -1.44269502 : f32
    %mul3A_40 = vector.broadcast %mul3A_39 : f32 to vector<1024x2048xf32>
    %mul3A_41 = arith.mulf %abs3A, %mul3A_40 : vector<1024x2048xf32>
    %exp23A = math.exp2 %mul3A_41 : vector<1024x2048xf32>
    %add3A = arith.constant 1.000000e+00 : f32
    %add3A_42 = vector.broadcast %add3A : f32 to vector<1024x2048xf32>
    %add3A_43 = arith.addf %add3A_42, %exp23A : vector<1024x2048xf32>
    %log3A = math.log %add3A_43 : vector<1024x2048xf32>
    %log3A_44 = arith.constant 2.000000e+00 : f32
    %log3A_45 = math.log %log3A_44 : f32
    %div3A = vector.broadcast %log3A_45 : f32 to vector<1024x2048xf32>
    %div3A_46 = arith.divf %log3A, %div3A : vector<1024x2048xf32>
    %reduce_sum3A_47 = arith.constant dense<0.000000e+00> : vector<2048xf32>
    %reduce_sum3A_48 = vector.multi_reduction <add>, %div3A_46, %reduce_sum3A_47 [0] : vector<1024x2048xf32> to vector<2048xf32>
    %broadcast_in_dim3A_49 = vector.shape_cast %reduce_sum3A_48 : vector<2048xf32> to vector<1x2048xf32>
    %mul3A_50 = arith.constant 0.693147182 : f32
    %mul3A_51 = vector.broadcast %mul3A_50 : f32 to vector<1x2048xf32>
    %mul3A_52 = arith.mulf %broadcast_in_dim3A_49, %mul3A_51 : vector<1x2048xf32>
    %reduce_sum3A_53 = arith.constant dense<0.000000e+00> : vector<2048xf32>
    %reduce_sum3A_54 = vector.multi_reduction <add>, %abs3A, %reduce_sum3A_53 [0] : vector<1024x2048xf32> to vector<2048xf32>
    %broadcast_in_dim3A_55 = vector.shape_cast %reduce_sum3A_54 : vector<2048xf32> to vector<1x2048xf32>
    %mul3A_56 = arith.constant 5.000000e-01 : f32
    %mul3A_57 = vector.broadcast %mul3A_56 : f32 to vector<1x2048xf32>
    %mul3A_58 = arith.mulf %mul3A_57, %broadcast_in_dim3A_55 : vector<1x2048xf32>
    %add3A_59 = arith.addf %mul3A_52, %mul3A_58 : vector<1x2048xf32>
    %gt3A_60 = arith.constant 0.000000e+00 : f32
    %gt3A_61 = vector.broadcast %gt3A_60 : f32 to vector<1024x2048xf32>
    %gt3A_62 = arith.cmpf ogt, %dot_general3A_38, %gt3A_61 : vector<1024x2048xf32>
    %jit3A_63 = arith.constant 0.000000e+00 : f32
    %broadcast_in_dim3A_64 = vector.broadcast %jit3A_63 : f32 to vector<1024x2048xf32>
    %select_n3A_65 = arith.select %gt3A_62, %dot_general3A_35, %broadcast_in_dim3A_64 : vector<1024x2048xi1>, vector<1024x2048xf32>
    %reduce_sum3A_66 = arith.constant dense<0.000000e+00> : vector<2048xf32>
    %reduce_sum3A_67 = vector.multi_reduction <add>, %select_n3A_65, %reduce_sum3A_66 [0] : vector<1024x2048xf32> to vector<2048xf32>
    %broadcast_in_dim3A_68 = vector.shape_cast %reduce_sum3A_67 : vector<2048xf32> to vector<1x2048xf32>
    %dot_general3A_69 = arith.constant dense<0.000000e+00> : vector<1x2048xf32>
    %dot_general3A_70 = tpu.matmul %broadcast_in_dim3A, %concatenate3A, %dot_general3A_69 {dimension_numbers = #tpu.dot_dimension_numbers<[1], [1], [0], [0], [0, 0, 1, 0], [], []>, transpose_lhs_hint = false} : vector<1x32xf32>, vector<2048x32xf32>, vector<1x2048xf32> -> vector<1x2048xf32>
    %mul3A_71 = arith.constant 5.000000e-01 : f32
    %mul3A_72 = vector.broadcast %mul3A_71 : f32 to vector<1x2048xf32>
    %mul3A_73 = arith.mulf %mul3A_72, %dot_general3A_70 : vector<1x2048xf32>
    %add3A_74 = arith.addf %add3A_59, %mul3A_73 : vector<1x2048xf32>
    %sub3A = arith.subf %add3A_74, %broadcast_in_dim3A_68 : vector<1x2048xf32>
    %mul3A_75 = arith.mulf %sub3A, %concatenate3A_33 : vector<1x2048xf32>
    %reduce_sum3A_76 = vector.shape_cast %mul3A_75 : vector<1x2048xf32> to vector<1x1x2048xf32>
    %reduce_sum3A_77 = arith.constant dense<0.000000e+00> : vector<1xf32>
    %reduce_sum3A_78 = vector.multi_reduction <add>, %reduce_sum3A_76, %reduce_sum3A_77 [1, 2] : vector<1x1x2048xf32> to vector<1xf32>
    %reduce_sum3A_79 = vector.shape_cast %reduce_sum3A_78 : vector<1xf32> to vector<1x1x1xf32>
    %reduce_sum3A_80 = vector.extract %reduce_sum3A_79[0, 0, 0] : f32 from vector<1x1x1xf32>
    %sign3A = tpu.bitcast %get3A_1 : vector<1024x32xf32> -> vector<1024x32xi32>
    %sign3A_81 = arith.constant -2147483648 : i32
    %sign3A_82 = vector.broadcast %sign3A_81 : i32 to vector<1024x32xi32>
    %sign3A_83 = arith.andi %sign3A, %sign3A_82 : vector<1024x32xi32>
    %sign3A_84 = arith.constant 1065353216 : i32
    %sign3A_85 = vector.broadcast %sign3A_84 : i32 to vector<1024x32xi32>
    %sign3A_86 = arith.ori %sign3A_85, %sign3A_83 : vector<1024x32xi32>
    %sign3A_87 = tpu.bitcast %sign3A_86 : vector<1024x32xi32> -> vector<1024x32xf32>
    %sign3A_88 = math.absf %get3A_1 : vector<1024x32xf32>
    %sign3A_89 = arith.constant 0.000000e+00 : f32
    %sign3A_90 = vector.broadcast %sign3A_89 : f32 to vector<1024x32xf32>
    %sign3A_91 = arith.cmpf ogt, %sign3A_88, %sign3A_90 : vector<1024x32xf32>
    %sign3A_92 = arith.select %sign3A_91, %sign3A_87, %get3A_1 : vector<1024x32xi1>, vector<1024x32xf32>
    %sub3A_93 = arith.subf %get3A_1, %sign3A_92 : vector<1024x32xf32>
    %integer_pow3A = arith.mulf %sub3A_93, %sub3A_93 : vector<1024x32xf32>
    %reduce_sum3A_94 = vector.shape_cast %integer_pow3A : vector<1024x32xf32> to vector<1x1024x32xf32>
    %reduce_sum3A_95 = arith.constant dense<0.000000e+00> : vector<1xf32>
    %reduce_sum3A_96 = vector.multi_reduction <add>, %reduce_sum3A_94, %reduce_sum3A_95 [1, 2] : vector<1x1024x32xf32> to vector<1xf32>
    %reduce_sum3A_97 = vector.shape_cast %reduce_sum3A_96 : vector<1xf32> to vector<1x1x1xf32>
    %reduce_sum3A_98 = vector.extract %reduce_sum3A_97[0, 0, 0] : f32 from vector<1x1x1xf32>
    %mul3A_99 = arith.constant 1.562500e+00 : f32
    %mul3A_100 = arith.mulf %reduce_sum3A_98, %mul3A_99 : f32
    %get3A_101 = arith.constant 0 : index
    %get3A_102 = arith.constant 0 : index
    %get3A_103 = vector.load %arg5[%get3A_101, %get3A_102] : memref<1x1xf32, #tpu.memory_space<vmem>>, vector<1x1xf32>
    %add3A_104 = arith.addf %reduce_sum3A_80, %mul3A_100 : f32
    %add3A_105 = vector.broadcast %add3A_104 : f32 to vector<1x1xf32>
    %add3A_106 = arith.addf %get3A_103, %add3A_105 : vector<1x1xf32>
    %mul3A_107 = arith.constant 1.95312495E-8 : f32
    %mul3A_108 = vector.broadcast %mul3A_107 : f32 to vector<1x1xf32>
    %mul3A_109 = arith.mulf %add3A_106, %mul3A_108 : vector<1x1xf32>
    %swap3A = arith.constant 0 : index
    %swap3A_110 = arith.constant 0 : index
    %swap3A_111 = vector.load %arg6[%swap3A, %swap3A_110] : memref<1x1xf32, #tpu.memory_space<vmem>>, vector<1x1xf32>
    tpu.vector_store %arg6[%swap3A, %swap3A_110], %mul3A_109 {strides = array<i32>} : memref<1x1xf32, #tpu.memory_space<vmem>>, vector<1x1xf32>,
    return
  }
}

</mosaic_0001>

<sc_bundles>
// kernel: kernel.5.cloned.1.call-start
scs
__scs_entry_jumppad:
0x0: {  	(pc) =	sbr.rel $0x88, $3  }
0x1: {  	(tag) =	ssettag $0x0;
	lr =	simm.s32 $0x1  }
0x2: {  	[smem:$0x3F9C] =	sst lr;
	_ =	strace $0xD0000000  }
0x3: {  	_ = 	snop  }
0x4: {  	_ = 	snop  }
0x5: {  	_ = 	snop  }
0x6: {  	_ = 	snop  }
0x7: {  	_ = 	snop  }
__scs_overlays_trampoline_lowered:
0x8: {  	[smem:$0x3FAB] =	sst s0  }
0x9: {  	[smem:$0x3FAC] =	sst s1  }
0xa: {  	[smem:$0x3FAD] =	sst s2  }
0xb: {  	[smem:$0x3FAE] =	sst s3  }
0xc: {  	[smem:$0x3FAF] =	sst s4  }
0xd: {  	[smem:$0x3FB0] =	sst s5  }
0xe: {  	[smem:$0x3FB1] =	sst s6  }
0xf: {  	[smem:$0x3FB2] =	sst s7  }
0x10: {  	[smem:$0x3FB3] =	sst s8  }
0x11: {  	[smem:$0x3FB4] =	sst s9;
	s0 =	simm.s32 @!p0 $0x0  }
0x12: {  	s1 =	sld [smem:$0x3F9A];
	s0 =	simm.s32 @p0 $0x1  }
0x13: {  	[smem:$0x3FB5] =	sst s0;
	s0 =	simm.s32 @!p1 $0x0  }
0x14: {  	s2 =	sld [smem:$0x3F99];
	s0 =	simm.s32 @p1 $0x1  }
0x15: {  	[smem:$0x3FB6] =	sst s0;
	s0 =	simm.s32 @!p2 $0x0  }
0x16: {  	s3 =	sld [smem:$0x3FDB];
	s0 =	simm.s32 @p2 $0x1  }
0x17: {  	s4 =	simm.s32 $0x1BF5;
	[smem:$0x3FB8] =	sst s0  }
0x18: {  	s0 =	sld [smem:$0x3F9B];
	_ =	swait.ge [sflag:s4], $0x0  }
0x19: {  	s7 =	sld [smem:$0x3F9C]  }
0x1a: {  	s8 =	sadd.s32 $0xFFFFE003, lr  }
0x1b: {  	s9 =	sadd.s32 $0xFFFFFEF7, lr;
	s5 =	simm.s32 $0xFFFFFFFF;
	p2 =	slt.u32 s8, $0xFFFFF086  }
0x1c: {  	p1 =	slt.u32 s9, $0xF7A;
	s5 =	simm.s32 @!p2 $0x0  }
0x1d: {  	s5 =	simm.s32 @p1 $0x1;
	p0 =	seq.s32 s7, s2  }
0x1e: {  	s7 =	smul.u32 @!p0 $0xF7A, s2;
	p2 =	seq.s32 @!p0 s5, $0x0  }
0x1f: {  	s9 =	smul.u32 $0xF7A, s1;
	s8 =	simm.s32 @!p0 $0x1BF5;
	p2 =	por !p2, p0  }
0x20: {  	[sflag:s8] =	ssyncset.s32 @!p0 $0xFFFFF086;
	s6 =	sadd.s32 @!p0 s3, s7;
	s7 =	simm.s32 @!p0 $0x108  }
0x21: {  	s3 =	sadd.s32 s3, s9;
	s6 =	sadd.s32 @!p0 $0x88, s6;
	s7 =	simm.s32 @p2 $0x1082  }
0x22: {  	[simem:s7], [sflag:s8] =	dma.local @!p0 [hbm:s6], $0xF7A  }
0x23: {  	s9 =	sor.u32 $0xD0000000, s2;
	s6 =	simm.s32 $0x108;
	_ =	swait.ge @!p0 [sflag:s8], $0x0  }
0x24: {  	s3 =	sadd.s32 $0x88, s3;
	s6 =	simm.s32 @!p1 $0x1082;
	[sflag:s4] =	ssyncset.s32 $0xFFFFF086  }
0x25: {  	[simem:s6], [sflag:s4] =	dma.local [hbm:s3], $0xF7A  }
0x26: {  	[smem:$0x3F9C] =	sst s1;
	(tag) =	ssettag s2;
	_ =	strace s9  }
0x27: {  	s1 =	sld [smem:$0x3FAC]  }
0x28: {  	s2 =	sld [smem:$0x3FAD]  }
0x29: {  	s4 =	sld [smem:$0x3FAF]  }
0x2a: {  	p0 =	seq.s32 s5, $0x0;
	s5 =	sld [smem:$0x3FB0]  }
0x2b: {  	s6 =	sld [smem:$0x3FB1]  }
0x2c: {  	s7 =	sld [smem:$0x3FB2]  }
0x2d: {  	s3 =	simm.s32 $0x108;
	s8 =	sld [smem:$0x3FB3]  }
0x2e: {  	s3 =	simm.s32 @!p0 $0x1082;
	s9 =	sld [smem:$0x3FB4]  }
0x2f: {  	lr =	sadd.s32 s0, s3;
	s0 =	sld [smem:$0x3FAB]  }
0x30: {  	s3 =	sld [smem:$0x3FAE]  }
0x31: {  	[smem:$0x3FB7] =	sst s10  }
0x32: {  	s10 =	sld [smem:$0x3FB5];
	_ =	sdelay $0x3  }
0x33: {  	p0 =	seq.s32 s10, $0x1;
	s10 =	sld [smem:$0x3FB7];
	_ =	sdelay $0x3  }
0x34: {  	[smem:$0x3FB7] =	sst s10  }
0x35: {  	s10 =	sld [smem:$0x3FB6];
	_ =	sdelay $0x3  }
0x36: {  	p1 =	seq.s32 s10, $0x1;
	s10 =	sld [smem:$0x3FB7];
	_ =	sdelay $0x3  }
0x37: {  	[smem:$0x3FB7] =	sst s10  }
0x38: {  	s10 =	sld [smem:$0x3FB8]  }
0x39: {  	_ = 	snop;
	(pc) =	sbr.ind lr, $3  }
0x3a: {  	_ = 	snop  }
0x3b: {  	_ = 	snop  }
0x3c: {  	p2 =	seq.s32 s10, $0x1;
	s10 =	sld [smem:$0x3FB7]  }
0x3d: {  	_ =	shalt  }
0x3e: {  	_ =	shalt  }
0x3f: {  	_ =	shalt  }
0x40: {  	_ =	shalt  }
0x41: {  	_ =	shalt  }
0x42: {  	_ =	shalt  }
0x43: {  	_ =	shalt  }
0x44: {  	_ =	shalt  }
0x45: {  	_ =	shalt  }
0x46: {  	_ =	shalt  }
0x47: {  	_ =	shalt  }
0x48: {  	_ =	shalt  }
0x49: {  	_ =	shalt  }
0x4a: {  	_ =	shalt  }
0x4b: {  	_ =	shalt  }
0x4c: {  	_ =	shalt  }
0x4d: {  	_ =	shalt  }
0x4e: {  	_ =	shalt  }
0x4f: {  	_ =	shalt  }
0x50: {  	_ =	shalt  }
0x51: {  	_ =	shalt  }
0x52: {  	_ =	shalt  }
0x53: {  	_ =	shalt  }
0x54: {  	_ =	shalt  }
0x55: {  	_ =	shalt  }
0x56: {  	_ =	shalt  }
0x57: {  	_ =	shalt  }
0x58: {  	_ =	shalt  }
0x59: {  	_ =	shalt  }
0x5a: {  	_ =	shalt  }
0x5b: {  	_ =	shalt  }
0x5c: {  	_ =	shalt  }
0x5d: {  	_ =	shalt  }
0x5e: {  	_ =	shalt  }
0x5f: {  	_ =	shalt  }
0x60: {  	_ =	shalt  }
0x61: {  	_ =	shalt  }
0x62: {  	_ =	shalt  }
0x63: {  	_ =	shalt  }
0x64: {  	_ =	shalt  }
0x65: {  	_ =	shalt  }
0x66: {  	_ =	shalt  }
0x67: {  	_ =	shalt  }
0x68: {  	_ =	shalt  }
0x69: {  	_ =	shalt  }
0x6a: {  	_ =	shalt  }
0x6b: {  	_ =	shalt  }
0x6c: {  	_ =	shalt  }
0x6d: {  	_ =	shalt  }
0x6e: {  	_ =	shalt  }
0x6f: {  	_ =	shalt  }
0x70: {  	_ =	shalt  }
0x71: {  	_ =	shalt  }
0x72: {  	_ =	shalt  }
0x73: {  	_ =	shalt  }
0x74: {  	_ =	shalt  }
0x75: {  	_ =	shalt  }
0x76: {  	_ =	shalt  }
0x77: {  	_ =	shalt  }
0x78: {  	_ =	shalt  }
0x79: {  	_ =	shalt  }
0x7a: {  	_ =	shalt  }
0x7b: {  	_ =	shalt  }
0x7c: {  	_ =	shalt  }
0x7d: {  	_ =	shalt  }
0x7e: {  	_ =	shalt  }
0x7f: {  	_ =	shalt  }
0x80: {  	_ =	shalt  }
0x81: {  	_ =	shalt  }
0x82: {  	_ =	shalt  }
0x83: {  	_ =	shalt  }
0x84: {  	_ =	shalt  }
0x85: {  	_ =	shalt  }
0x86: {  	_ =	shalt  }
0x87: {  	_ =	shalt  }
.Lfunc_end0:
.L_simem_size_0:
called_computation_lowered:
.L_overlay_start_0:
0x88: {  	s2 =	sld [smem:$0x3FD9]  }
0x89: {  	s3 =	sld [smem:$0x3FFE];
	_ =	sdelay $0x1  }
0x8a: {  	s1 =	srdreg.scid  }
0x8b: {  	s0 =	sand.u32 $0x1, s1  }
0x8c: {  	s17 =	sshll.u32 s0, $0xA;
	s2 =	sadd.s32 s3, s2  }
0x8d: {  	s2 =	sadd.s32 s2, s17  }
0x8e: {  	[smem:$0x3FC3] =	sst s2  }
0x8f: {  	_ = 	snop  }
0x90: {  	s2 =	sld [smem:$0x3FC7];
	(tm) =	ssettm $0x1  }
0x91: {  	s18 =	sld [smem:$0x3FFB];
	_ =	sdelay $0x3  }
0x92: {  	_ =	strace s18  }
0x93: {  	s3 =	sld [smem:$0x3FFC];
	_ =	sdelay $0x3  }
0x94: {  	_ =	strace s3  }
0x95: {  	s3 =	sld [smem:$0x3FFD];
	_ =	sdelay $0x3  }
0x96: {  	_ =	strace s3  }
0x97: {  	_ =	strace $0x8FFFFFFF  }
0x98: {  	s19 =	sld [smem:$0x3FDB];
	_ =	sdelay $0x1  }
0x99: {  	s4 =	simm.s32 $_scs_section_size  }
0x9a: {  	s5 =	simm.s32 $_size__tile_overlayer_lowered;
	s6 =	simm.s32 $_tile_overlayer_lowered  }
0x9b: {  	s22 =	simm.s32 $0x1BFF;
	s21 =	sshll.u32 s6, $0x1;
	s3 =	sadd.s32 s4, s19  }
0x9c: {  	s7 =	simm.s32 $0x0;
	s20 =	sshll.u32 s5, $0x1;
	s5 =	sadd.s32 s21, s3  }
0x9d: {  	[timem:s7], [sflag:s22] =	dma.local [hbm:s5], s20  }
0x9e: {  	_ =	swait.ge [sflag:s22], s20  }
0x9f: {  	s4 =	ssub.s32 $0x0, s20;
	[sflag:s22] =	ssyncset.done $0x0  }
0xa0: {  	[sflag:s22] =	ssyncadd.s32 s4;
	_ =	sdelay $0x1  }
0xa1: {  	s23 =	simm.s32 $0x1B8B  }
0xa2: {  	_ =	swait.ge [sflag:s23], $0x1  }
0xa3: {  	[sflag:s23] =	ssyncset.done $0x0  }
0xa4: {  	s25 =	simm.s32 $0x1B8E;
	s24 =	sld [smem:$0x3FFE];
	[sflag:s23] =	ssyncadd.s32 $0xFFFFFFFF  }
0xa5: {  	s26 =	simm.s32 $execute0_lowered;
	[smem:$0x3FD2] =	sst s25  }
0xa6: {  	s5 =	sshll.u32 s26, $0x1;
	_ =	strace $0x80000046;
	[dreg:$0x1] =	wrdreg $0xFFFFFFFF  }
0xa7: {  	s28 =	simm.s32 $_size_execute0_lowered;
	s3 =	sadd.s32 s3, s5;
	[dreg:$0x0] =	wrdreg $0x0  }
0xa8: {  	s5 =	sshll.u32 s28, $0x1;
	[dreg:$0x2] =	wrdreg s3  }
0xa9: {  	[dreg:$0x3] =	wrdreg s5  }
0xaa: {  	[dreg:$0x4] =	wrdreg $0xC0  }
0xab: {  	_ =	task [dreg:s7], $0x5FFFF  }
0xac: {  	[dreg:$0x1] =	wrdreg $0xFFFFFFFF  }
0xad: {  	[dreg:$0x0] =	wrdreg $0x60  }
0xae: {  	[dreg:$0x2] =	wrdreg s24  }
0xaf: {  	[dreg:$0x3] =	wrdreg s2  }
0xb0: {  	[dreg:$0x4] =	wrdreg $0x9  }
0xb1: {  	_ =	task.clear_ibuf [dreg:s7], $0x5FFFF;
	_ =	strace $0x90000046  }
0xb2: {  	s29 =	simm.s32 $0x9;
	_ =	strace $0x80000048  }
0xb3: {  	_ =	swait.ge [sflag:s29], $0x1  }
0xb4: {  	[sflag:s29] =	ssyncadd.s32 $0xFFFFFFFF  }
0xb5: {  	_ =	strace $0x90000048  }
0xb6: {  	_ =	sfence  }
0xb7: {  	s30 =	sld [smem:$0x0];
	_ =	sdelay $0x2  }
0xb8: {  	s31 =	sshll.u32 s1, $0xD;
	s1 =	sshrl.u32 s1, $0x2  }
0xb9: {  	s3 =	sand.u32 $0x4000, s31;
	s1 =	sadd.s32 s1, s30  }
0xba: {  	s0 =	sor.u32 s3, s0;
	s1 =	sshll.u32 s1, $0x11  }
0xbb: {  	s0 =	sor.u32 s1, s0  }
0xbc: {  	s0 =	sadd.s32 $0x8F2B, s0  }
0xbd: {  	[sflag:s0] =	ssyncadd.remote.s32 $0x1  }
0xbe: {  	_ =	sfence.sel $0xFFFF  }
0xbf: {  	[dreg:$0x0] =	wrdreg $0xFFFFFFFF;
	(pc) =	sbr.abs _section_cstart, $3  }
0xc0: {  	[dreg:$0x1] =	wrdreg $0xFFFFFFFF  }
0xc1: {  	_ =	task.clear_ibuf [dreg:s7], $0x2FFFF;
	_ =	strace $0x9FFFFFFF  }
0xc2: {  	(tm) =	ssettm $0x7FFFFFFF  }
0xc3: {  	_ =	shalt  }
tec
execute0_lowered:
.L_overlay_start_1:
0x0: {  	(tag) =	ssettag $0x1  }
0x1: {  	s1 =	srdreg.scid;
	s9 =	rddreg [dreg:$0x0]  }
0x2: {  	s0 =	stileid.u32;
	s3 =	rddreg [dreg:$0x1]  }
0x3: {  	s2 =	simm.s32 $0x0;
	s7 =	simm.s32 $0x80;
	s6 =	sand.u32 $0x1, s1  }
0x4: {  	s4 =	sshll.u32 s0, $0x6;
	s1 =	rddreg [dreg:$0x2];
	s5 =	sshll.u32 s6, $0x5  }
0x5: {  	s8 =	simm.s32 $0x1;
	[smem:$0x7FF] =	sst s2;
	s10 =	sor.u32 s5, s4  }
0x6: {  	_ =	strace $0x80000047;
	s11 =	ssub.s32 $0x2, s6;
	s4 =	sshrl.u32 s10, $0x3  }
0x7: {  	s6 =	simm.s32 $0x20;
	s4 =	sadd.s32 s3, s4;
	s3 =	simm.s32 $0x2  }
0x8: {  	[tilespmem:s2], [sflag:$0x2] =	stream.linear.gather [hbm4b:s4+s2], $0x20, $0x38;
	[tilespmem:$0x1080] =	vst v63  }
0x9: {  	s5 =	sadd.s32 $0x62800, s9;
	s12 =	sshrl.u32 s11, $0x1;
	_ =	swait.ge [sflag:s3], $0x20  }
0xa: {  	s10 =	sshll.u32 s10, $0x4;
	s31 =	ssub.s32 s11, s12;
	[sflag:s3] =	ssyncset.done $0x0  }
0xb: {  	s9 =	sadd.s32 s10, s9;
	s10 =	smax.u32 s31, $0x1;
	[sflag:s3] =	ssyncadd.s32 $0xFFFFFFE0  }
0xc: {  	[tilespmem:s7], [sflag:$0x1] =	stream.indirect.gather [hbm4b:s5+s6], $0x80, s2, s6, $0xb8;
	[tilespmem:$0x1080] =	vst v63  }
0xd: {  	p0 =	sne.s32 s10, $0x1;
	_ =	swait.ge [sflag:s8], $0x1000  }
.Ltmp0:
0xe: {  	[sflag:s8] =	ssyncset.done $0x0;
	(pc) =	sbr.rel @!p0 .LBB2_2-.Ltmp0, $4  }
0xf: {  	s9 =	sadd.s32 $0xC00, s9;
	[sflag:s8] =	ssyncadd.s32 $0xFFFFF000  }
0x10: {  	[hbm4b:s9+s2] =	stream.linear.scatter [tilespmem:s7], [sflag:$0x2], $0x1000, $0x38;
	[tilespmem:$0x1080] =	vst v63  }
0x11: {  	_ =	swait.ge [sflag:s3], $0x1000  }
0x12: {  	s10 =	sadd.s32 $0xFFFFFFFF, s10;
	[sflag:s3] =	ssyncset.done $0x0  }
.LBB2_1:
0x13: {  	p0 =	sne.s32 s10, $0x1;
	s10 =	sadd.s32 $0xFFFFFFFF, s10;
	[sflag:s3] =	ssyncadd.s32 $0xFFFFF000  }
0x14: {  	[tilespmem:s2], [sflag:$0x2] =	stream.linear.gather [hbm4b:s4+s2], $0x20, $0x38;
	[tilespmem:$0x1080] =	vst v63  }
0x15: {  	_ =	swait.ge [sflag:s3], $0x20  }
0x16: {  	[sflag:s3] =	ssyncset.done $0x0  }
0x17: {  	[sflag:s3] =	ssyncadd.s32 $0xFFFFFFE0  }
0x18: {  	[tilespmem:s7], [sflag:$0x1] =	stream.indirect.gather [hbm4b:s5+s6], $0x80, s2, s6, $0xb8;
	[tilespmem:$0x1080] =	vst v63  }
0x19: {  	_ =	swait.ge [sflag:s8], $0x1000  }
.Ltmp1:
0x1a: {  	[sflag:s8] =	ssyncset.done $0x0;
	(pc) =	sbr.rel @p0 .LBB2_1-.Ltmp1, $4  }
0x1b: {  	[sflag:s8] =	ssyncadd.s32 $0xFFFFF000  }
0x1c: {  	[hbm4b:s9+s2] =	stream.linear.scatter [tilespmem:s7], [sflag:$0x2], $0x1000, $0x38;
	[tilespmem:$0x1080] =	vst v63  }
0x1d: {  	_ =	swait.ge [sflag:s3], $0x1000  }
0x1e: {  	[sflag:s3] =	ssyncset.done $0x0  }
.LBB2_2:
0x1f: {  	[sflag:s3] =	ssyncadd.s32 $0xFFFFF000  }
0x20: {  	_ =	sfence.sel $0x180000  }
0x21: {  	[bflag:$0x0] =	sbarrier.arrive $0xFFFF  }
0x22: {  	p0 =	sne.s32 s0, $0x0;
	_ =	strace $0x90000047  }
0x23: {  	s0 =	sadd.s32 @!p0 $0x100000, s1;
	[bflag:$0x2] =	sbarrier.arrive $0xFFFF  }
0x24: {  	[sflag:s0] =	ssyncadd.tile.s32 @!p0 $0x1;
	_ =	shalt  }
.Lfunc_end2:
_tile_overlayer_lowered:
.L_overlay_start_2:
0x25: {  	(tag) =	ssettag $0x2  }
0x26: {  	s0 =	rddreg [dreg:$0x0];
	s2 =	stileid.u32  }
0x27: {  	s1 =	rddreg [dreg:$0x1];
	p0 =	sne.s32 s2, $0x0  }
0x28: {  	s3 =	rddreg [dreg:$0x2];
	[bflag:$0x3] =	sbarrier.arrive $0xFFFF;
	s2 =	simm.s32 @!p0 $0x1C02  }
0x29: {  	[timem:s3], [sflag:s2] =	dma.local @!p0 [hbm:s0], s1  }
0x2a: {  	s0 =	simm.s32 @!p0 $0x2  }
0x2b: {  	_ =	swait.ge @!p0 [sflag:s0], s1  }
0x2c: {  	s1 =	ssub.s32 @!p0 $0x0, s1;
	[sflag:s0] =	ssyncset.done @!p0 $0x0  }
0x2d: {  	[sflag:s0] =	ssyncadd.s32 @!p0 s1  }
0x2e: {  	[bflag:$0x3] =	sbarrier.arrive $0xFFFF  }
0x2f: {  	_ =	shalt  }

</sc_bundles>
